<compile_context>
chip_gen: v7x
topology: tpu7x:2x2x1
jax: 0.10.2.dev20260603
libtpu: 0.0.44.dev20260713+nightly
codegen_flags: <defaults>
</compile_context>

<pallas_src>
import functools

import jax
import jax.numpy as jnp
from jax.experimental import pallas as pl
from jax.experimental.pallas import tpu as pltpu

T = 2048
H = 1024
E = 8
FFN = 4096
K = 2
S = T * K
B_ROW = 256
S_PAD = S + E * B_ROW
NB = S_PAD // B_ROW
F_BLK = 1024
NF = FFN // F_BLK
JITTER = 0.01


def _router_kernel(x_ref, gw_ref, logits_ref, sel1_ref, sel2_ref, m1_ref, m2_ref):
    x = x_ref[...]
    gw = gw_ref[...]
    logits = jax.lax.dot_general(
        x, gw, (((1,), (1,)), ((), ())), preferred_element_type=jnp.float32)
    logits_ref[...] = logits
    iota = jax.lax.broadcasted_iota(jnp.int32, (T, E), 1)
    neg_inf = jnp.float32(-jnp.inf)

    def step(scores):
        m = jnp.max(scores, axis=-1, keepdims=True)
        is_max = scores == m
        sel = jnp.min(jnp.where(is_max, iota, E), axis=-1)
        factor = jnp.maximum(jnp.abs(scores), m)
        mask = ((m - scores) / factor) > (2.0 * JITTER)
        masked = jnp.where(mask, neg_inf, scores)
        mm = jnp.max(masked, axis=-1, keepdims=True)
        ex = jnp.exp(masked - mm)
        probs = ex / jnp.sum(ex, axis=-1, keepdims=True)
        onehot = iota == sel[:, None]
        mult = jnp.sum(jnp.where(onehot, probs, 0.0), axis=-1)
        return mult, sel, onehot

    mult1, sel1, oh1 = step(logits)
    masked2 = jnp.where(oh1, neg_inf, logits)
    mult2, sel2, _ = step(masked2)
    sel1_ref[...] = sel1[:, None]
    sel2_ref[...] = sel2[:, None]
    m1_ref[...] = mult1[:, None]
    m2_ref[...] = mult2[:, None]


def _moe_kernel(ids_ref, be_ref, act_ref, x_ref, w1_ref, w3_ref, w2_ref, g_ref,
                y_ref, xs_ref):
    b = pl.program_id(0)
    f = pl.program_id(1)

    @pl.when(f == 0)
    def _gather():
        def body(i, _):
            t = ids_ref[b * B_ROW + i]
            xs_ref[i, :] = x_ref[t, :]
            return 0
        jax.lax.fori_loop(0, B_ROW, body, 0)

    active = act_ref[b] == 1

    @pl.when(active)
    def _compute():
        xb = xs_ref[...]
        h1 = jax.lax.dot_general(
            xb, w1_ref[0], (((1,), (1,)), ((), ())),
            preferred_element_type=jnp.float32)
        h3 = jax.lax.dot_general(
            xb, w3_ref[0], (((1,), (1,)), ((), ())),
            preferred_element_type=jnp.float32)
        hh = h1 * jax.nn.sigmoid(h1) * h3
        yb = jax.lax.dot_general(
            hh, w2_ref[0], (((1,), (1,)), ((), ())),
            preferred_element_type=jnp.float32)
        yb = yb * g_ref[...]

        @pl.when(f == 0)
        def _init():
            y_ref[...] = yb

        @pl.when(f != 0)
        def _acc():
            y_ref[...] += yb

    @pl.when(jnp.logical_and(jnp.logical_not(active), f == 0))
    def _zero():
        y_ref[...] = jnp.zeros_like(y_ref)


def _combine_kernel(p1_ref, p2_ref, y_ref, o_ref):
    blk = pl.program_id(0)

    def body(i, _):
        t = blk * B_ROW + i
        o_ref[i, :] = y_ref[p1_ref[t], :] + y_ref[p2_ref[t], :]
        return 0
    jax.lax.fori_loop(0, B_ROW, body, 0)


@functools.partial(jax.jit, static_argnames=())
def kernel(hidden_states, gate_w, w1, w2, w3):
    b, s, d = hidden_states.shape
    x = hidden_states.reshape(-1, d)

    logits, sel1, sel2, mult1, mult2 = pl.pallas_call(
        _router_kernel,
        out_shape=[
            jax.ShapeDtypeStruct((T, E), jnp.float32),
            jax.ShapeDtypeStruct((T, 1), jnp.int32),
            jax.ShapeDtypeStruct((T, 1), jnp.int32),
            jax.ShapeDtypeStruct((T, 1), jnp.float32),
            jax.ShapeDtypeStruct((T, 1), jnp.float32),
        ],
    )(x, gate_w)

    e_all = jnp.concatenate([sel1[:, 0], sel2[:, 0]])
    g_all = jnp.concatenate([mult1[:, 0], mult2[:, 0]])
    tok = jnp.concatenate([jnp.arange(T, dtype=jnp.int32)] * 2)
    oh = jax.nn.one_hot(e_all, E, dtype=jnp.int32)
    c_cum = jnp.cumsum(oh, axis=0)
    rank = jnp.take_along_axis(c_cum, e_all[:, None], axis=1)[:, 0] - 1
    counts = c_cum[-1]
    nblk = (counts + B_ROW - 1) // B_ROW
    pstart = jnp.concatenate(
        [jnp.zeros((1,), jnp.int32),
         jnp.cumsum(nblk * B_ROW)[:-1].astype(jnp.int32)])
    dst = (pstart[e_all] + rank).astype(jnp.int32)
    ids = jnp.zeros((S_PAD,), jnp.int32).at[dst].set(tok)
    gates = jnp.zeros((S_PAD,), jnp.float32).at[dst].set(g_all)
    cumb = jnp.cumsum(nblk)
    total = cumb[-1]
    bidx = jnp.minimum(jnp.arange(NB), total - 1)
    be = jnp.searchsorted(cumb, bidx, side='right').astype(jnp.int32)
    act = (jnp.arange(NB) < total).astype(jnp.int32)
    p1 = dst[:T]
    p2 = dst[T:]

    y_sorted = pl.pallas_call(
        _moe_kernel,
        grid_spec=pltpu.PrefetchScalarGridSpec(
            num_scalar_prefetch=3,
            grid=(NB, NF),
            in_specs=[
                pl.BlockSpec((T, H), lambda bb, f, *_: (0, 0)),
                pl.BlockSpec((1, F_BLK, H), lambda bb, f, ids, be, act: (be[bb], f, 0)),
                pl.BlockSpec((1, F_BLK, H), lambda bb, f, ids, be, act: (be[bb], f, 0)),
                pl.BlockSpec((1, H, F_BLK), lambda bb, f, ids, be, act: (be[bb], 0, f)),
                pl.BlockSpec((B_ROW, 1), lambda bb, f, *_: (bb, 0)),
            ],
            out_specs=pl.BlockSpec((B_ROW, H), lambda bb, f, *_: (bb, 0)),
            scratch_shapes=[pltpu.VMEM((B_ROW, H), jnp.float32)],
        ),
        out_shape=jax.ShapeDtypeStruct((S_PAD, H), jnp.float32),
    )(ids, be, act, x, w1, w3, w2, gates[:, None])

    out = pl.pallas_call(
        _combine_kernel,
        grid_spec=pltpu.PrefetchScalarGridSpec(
            num_scalar_prefetch=2,
            grid=(T // B_ROW,),
            in_specs=[pl.BlockSpec((S_PAD, H), lambda bb, p1, p2: (0, 0))],
            out_specs=pl.BlockSpec((B_ROW, H), lambda bb, p1, p2: (bb, 0)),
        ),
        out_shape=jax.ShapeDtypeStruct((T, H), jnp.float32),
    )(p1, p2, y_sorted)

    return out.reshape(b, s, d), logits

# --- scband reference (transcript-rebuilt; emitter-appended) ---
"""Pipeline reference for scband-phi-mo-esparse-moe-block-12266426597722 (READ-ONLY COPY).

The authoritative reference and input builder live on the scoring server;
editing this copy changes nothing except your own understanding.
"""

import jax, jax.numpy as jnp
import numpy as np

HIDDEN = 1024
FFN = 4096
NUM_EXPERTS = 8
TOP_K = 2
JITTER_EPS = 0.01
BATCH = 1
SEQ = 2048


def setup_inputs(seed: int = 0) -> dict:
    key = jax.random.key(seed)
    ks = jax.random.split(key, 5)
    hidden_states = jax.random.normal(ks[0], (BATCH, SEQ, HIDDEN), dtype=jnp.float32)
    gate_w = jax.random.normal(ks[1], (NUM_EXPERTS, HIDDEN), dtype=jnp.float32) * 0.02
    w1 = jax.random.normal(ks[2], (NUM_EXPERTS, FFN, HIDDEN), dtype=jnp.float32) * 0.02
    w2 = jax.random.normal(ks[3], (NUM_EXPERTS, HIDDEN, FFN), dtype=jnp.float32) * 0.02
    w3 = jax.random.normal(ks[4], (NUM_EXPERTS, FFN, HIDDEN), dtype=jnp.float32) * 0.02
    return {"hidden_states": hidden_states, "gate_w": gate_w, "w1": w1, "w2": w2, "w3": w3}


def _sparsemixer_step(scores, jitter_eps):
    # PhiMoE sparsemixer inference path for one expert selection round.
    m = jnp.max(scores, axis=-1, keepdims=True)
    sel = jnp.argmax(scores, axis=-1)  # [T]
    factor = jnp.maximum(jnp.abs(scores), m)
    mask = ((m - scores) / factor) > (2.0 * jitter_eps)
    masked = jnp.where(mask, -jnp.inf, scores)
    probs = jax.nn.softmax(masked, axis=-1)
    mult = jnp.take_along_axis(probs, sel[:, None], axis=-1)[:, 0]  # [T]
    return mult, sel


def reference(hidden_states, gate_w, w1, w2, w3):
    b, s, d = hidden_states.shape
    x = hidden_states.reshape(-1, d)  # [T, d]
    router_logits = x @ gate_w.T  # [T, E]

    # top-1 selection
    mult1, sel1 = _sparsemixer_step(router_logits, JITTER_EPS)
    # mask out first selected expert, then top-1 again (PhiMoE top-2 routing)
    onehot1 = jax.nn.one_hot(sel1, NUM_EXPERTS, dtype=jnp.float32)
    masked_scores = jnp.where(onehot1 > 0, -jnp.inf, router_logits)
    mult2, sel2 = _sparsemixer_step(masked_scores, JITTER_EPS)
    onehot2 = jax.nn.one_hot(sel2, NUM_EXPERTS, dtype=jnp.float32)

    # per-token combine weights over experts (zero for unselected experts)
    combine = onehot1 * mult1[:, None] + onehot2 * mult2[:, None]  # [T, E]

    out = jnp.zeros_like(x)
    for e in range(NUM_EXPERTS):
        h1 = x @ w1[e].T          # [T, FFN]
        h3 = x @ w3[e].T          # [T, FFN]
        h = jax.nn.silu(h1) * h3  # SwiGLU-style PhiMoE expert MLP
        y = h @ w2[e].T           # [T, d]
        out = out + combine[:, e:e + 1] * y

    final_hidden_states = out.reshape(b, s, d)
    return final_hidden_states, router_logits

if __name__ == "__main__":
    import jax
    _d = setup_inputs()
    print(jax.jit(kernel)(*tuple(_d.values())))

</pallas_src>

<mosaic_0001>
module attributes {stable_mosaic.version = 14 : i64} {
  func.func @_router_kernel(%arg0: memref<2048x1024xf32, #tpu.memory_space<vmem>>, %arg1: memref<8x1024xf32, #tpu.memory_space<vmem>>, %arg2: memref<2048x8xf32, #tpu.memory_space<vmem>>, %arg3: memref<2048x1xi32, #tpu.memory_space<vmem>>, %arg4: memref<2048x1xi32, #tpu.memory_space<vmem>>, %arg5: memref<2048x1xf32, #tpu.memory_space<vmem>>, %arg6: memref<2048x1xf32, #tpu.memory_space<vmem>>) attributes {dimension_semantics = [], scalar_prefetch = 0 : i64, scratch_operands = 0 : i64, tpu.core_type = #tpu.core_type<tc>} {
    %get3A = arith.constant 0 : index
    %get3A_0 = arith.constant 0 : index
    %get3A_1 = vector.load %arg0[%get3A, %get3A_0] : memref<2048x1024xf32, #tpu.memory_space<vmem>>, vector<2048x1024xf32>
    %get3A_2 = arith.constant 0 : index
    %get3A_3 = arith.constant 0 : index
    %get3A_4 = vector.load %arg1[%get3A_2, %get3A_3] : memref<8x1024xf32, #tpu.memory_space<vmem>>, vector<8x1024xf32>
    %dot_general3A = arith.constant dense<0.000000e+00> : vector<2048x8xf32>
    %dot_general3A_5 = tpu.matmul %get3A_1, %get3A_4, %dot_general3A {dimension_numbers = #tpu.dot_dimension_numbers<[1], [1], [0], [0], [0, 0, 1, 0], [], []>, transpose_lhs_hint = false} : vector<2048x1024xf32>, vector<8x1024xf32>, vector<2048x8xf32> -> vector<2048x8xf32>
    %swap3A = arith.constant 0 : index
    %swap3A_6 = arith.constant 0 : index
    %swap3A_7 = vector.load %arg2[%swap3A, %swap3A_6] : memref<2048x8xf32, #tpu.memory_space<vmem>>, vector<2048x8xf32>
    tpu.vector_store %arg2[%swap3A, %swap3A_6], %dot_general3A_5 {strides = array<i32>} : memref<2048x8xf32, #tpu.memory_space<vmem>>, vector<2048x8xf32>,
    %iota3A = tpu.iota {dimensions = array<i32: 1>} : vector<2048x8xi32>
    %reduce_max3A = arith.constant dense<0xFF800000> : vector<2048xf32>
    %reduce_max3A_8 = vector.multi_reduction <maximumf>, %dot_general3A_5, %reduce_max3A [1] : vector<2048x8xf32> to vector<2048xf32>
    %broadcast_in_dim3A = vector.shape_cast %reduce_max3A_8 : vector<2048xf32> to vector<2048x1xf32>
    %eq3A = vector.broadcast %broadcast_in_dim3A : vector<2048x1xf32> to vector<2048x8xf32>
    %eq3A_9 = arith.cmpf oeq, %dot_general3A_5, %eq3A : vector<2048x8xf32>
    %jit3A = arith.constant 8 : i32
    %broadcast_in_dim3A_10 = vector.broadcast %jit3A : i32 to vector<2048x8xi32>
    %select_n3A = arith.select %eq3A_9, %iota3A, %broadcast_in_dim3A_10 : vector<2048x8xi1>, vector<2048x8xi32>
    %reduce_min3A = arith.constant dense<2147483647> : vector<2048xi32>
    %reduce_min3A_11 = vector.multi_reduction <minsi>, %select_n3A, %reduce_min3A [1] : vector<2048x8xi32> to vector<2048xi32>
    %abs3A = math.absf %dot_general3A_5 : vector<2048x8xf32>
    %max3A = vector.broadcast %broadcast_in_dim3A : vector<2048x1xf32> to vector<2048x8xf32>
    %max3A_12 = arith.maximumf %abs3A, %max3A : vector<2048x8xf32>
    %sub3A = vector.broadcast %broadcast_in_dim3A : vector<2048x1xf32> to vector<2048x8xf32>
    %sub3A_13 = arith.subf %sub3A, %dot_general3A_5 : vector<2048x8xf32>
    %div3A = arith.divf %sub3A_13, %max3A_12 : vector<2048x8xf32>
    %gt3A = arith.constant 2.000000e-02 : f32
    %gt3A_14 = vector.broadcast %gt3A : f32 to vector<2048x8xf32>
    %gt3A_15 = arith.cmpf ogt, %div3A, %gt3A_14 : vector<2048x8xf32>
    %jit3A_16 = arith.constant 0xFF800000 : f32
    %broadcast_in_dim3A_17 = vector.broadcast %jit3A_16 : f32 to vector<2048x8xf32>
    %select_n3A_18 = arith.select %gt3A_15, %broadcast_in_dim3A_17, %dot_general3A_5 : vector<2048x8xi1>, vector<2048x8xf32>
    %reduce_max3A_19 = arith.constant dense<0xFF800000> : vector<2048xf32>
    %reduce_max3A_20 = vector.multi_reduction <maximumf>, %select_n3A_18, %reduce_max3A_19 [1] : vector<2048x8xf32> to vector<2048xf32>
    %broadcast_in_dim3A_21 = vector.shape_cast %reduce_max3A_20 : vector<2048xf32> to vector<2048x1xf32>
    %sub3A_22 = vector.broadcast %broadcast_in_dim3A_21 : vector<2048x1xf32> to vector<2048x8xf32>
    %sub3A_23 = arith.subf %select_n3A_18, %sub3A_22 : vector<2048x8xf32>
    %exp3A = math.exp %sub3A_23 : vector<2048x8xf32>
    %reduce_sum3A = arith.constant dense<0.000000e+00> : vector<2048xf32>
    %reduce_sum3A_24 = vector.multi_reduction <add>, %exp3A, %reduce_sum3A [1] : vector<2048x8xf32> to vector<2048xf32>
    %broadcast_in_dim3A_25 = vector.shape_cast %reduce_sum3A_24 : vector<2048xf32> to vector<2048x1xf32>
    %div3A_26 = vector.broadcast %broadcast_in_dim3A_25 : vector<2048x1xf32> to vector<2048x8xf32>
    %div3A_27 = arith.divf %exp3A, %div3A_26 : vector<2048x8xf32>
    %broadcast_in_dim3A_28 = vector.shape_cast %reduce_min3A_11 : vector<2048xi32> to vector<2048x1xi32>
    %eq3A_29 = vector.broadcast %broadcast_in_dim3A_28 : vector<2048x1xi32> to vector<2048x8xi32>
    %eq3A_30 = arith.cmpi eq, %iota3A, %eq3A_29 : vector<2048x8xi32>
    %jit3A_31 = arith.constant 0.000000e+00 : f32
    %broadcast_in_dim3A_32 = vector.broadcast %jit3A_31 : f32 to vector<2048x8xf32>
    %select_n3A_33 = arith.select %eq3A_30, %div3A_27, %broadcast_in_dim3A_32 : vector<2048x8xi1>, vector<2048x8xf32>
    %reduce_sum3A_34 = arith.constant dense<0.000000e+00> : vector<2048xf32>
    %reduce_sum3A_35 = vector.multi_reduction <add>, %select_n3A_33, %reduce_sum3A_34 [1] : vector<2048x8xf32> to vector<2048xf32>
    %jit3A_36 = arith.constant 0xFF800000 : f32
    %broadcast_in_dim3A_37 = vector.broadcast %jit3A_36 : f32 to vector<2048x8xf32>
    %select_n3A_38 = arith.select %eq3A_30, %broadcast_in_dim3A_37, %dot_general3A_5 : vector<2048x8xi1>, vector<2048x8xf32>
    %reduce_max3A_39 = arith.constant dense<0xFF800000> : vector<2048xf32>
    %reduce_max3A_40 = vector.multi_reduction <maximumf>, %select_n3A_38, %reduce_max3A_39 [1] : vector<2048x8xf32> to vector<2048xf32>
    %broadcast_in_dim3A_41 = vector.shape_cast %reduce_max3A_40 : vector<2048xf32> to vector<2048x1xf32>
    %eq3A_42 = vector.broadcast %broadcast_in_dim3A_41 : vector<2048x1xf32> to vector<2048x8xf32>
    %eq3A_43 = arith.cmpf oeq, %select_n3A_38, %eq3A_42 : vector<2048x8xf32>
    %jit3A_44 = arith.constant 8 : i32
    %broadcast_in_dim3A_45 = vector.broadcast %jit3A_44 : i32 to vector<2048x8xi32>
    %select_n3A_46 = arith.select %eq3A_43, %iota3A, %broadcast_in_dim3A_45 : vector<2048x8xi1>, vector<2048x8xi32>
    %reduce_min3A_47 = arith.constant dense<2147483647> : vector<2048xi32>
    %reduce_min3A_48 = vector.multi_reduction <minsi>, %select_n3A_46, %reduce_min3A_47 [1] : vector<2048x8xi32> to vector<2048xi32>
    %abs3A_49 = math.absf %select_n3A_38 : vector<2048x8xf32>
    %max3A_50 = vector.broadcast %broadcast_in_dim3A_41 : vector<2048x1xf32> to vector<2048x8xf32>
    %max3A_51 = arith.maximumf %abs3A_49, %max3A_50 : vector<2048x8xf32>
    %sub3A_52 = vector.broadcast %broadcast_in_dim3A_41 : vector<2048x1xf32> to vector<2048x8xf32>
    %sub3A_53 = arith.subf %sub3A_52, %select_n3A_38 : vector<2048x8xf32>
    %div3A_54 = arith.divf %sub3A_53, %max3A_51 : vector<2048x8xf32>
    %gt3A_55 = arith.constant 2.000000e-02 : f32
    %gt3A_56 = vector.broadcast %gt3A_55 : f32 to vector<2048x8xf32>
    %gt3A_57 = arith.cmpf ogt, %div3A_54, %gt3A_56 : vector<2048x8xf32>
    %jit3A_58 = arith.constant 0xFF800000 : f32
    %broadcast_in_dim3A_59 = vector.broadcast %jit3A_58 : f32 to vector<2048x8xf32>
    %select_n3A_60 = arith.select %gt3A_57, %broadcast_in_dim3A_59, %select_n3A_38 : vector<2048x8xi1>, vector<2048x8xf32>
    %reduce_max3A_61 = arith.constant dense<0xFF800000> : vector<2048xf32>
    %reduce_max3A_62 = vector.multi_reduction <maximumf>, %select_n3A_60, %reduce_max3A_61 [1] : vector<2048x8xf32> to vector<2048xf32>
    %broadcast_in_dim3A_63 = vector.shape_cast %reduce_max3A_62 : vector<2048xf32> to vector<2048x1xf32>
    %sub3A_64 = vector.broadcast %broadcast_in_dim3A_63 : vector<2048x1xf32> to vector<2048x8xf32>
    %sub3A_65 = arith.subf %select_n3A_60, %sub3A_64 : vector<2048x8xf32>
    %exp3A_66 = math.exp %sub3A_65 : vector<2048x8xf32>
    %reduce_sum3A_67 = arith.constant dense<0.000000e+00> : vector<2048xf32>
    %reduce_sum3A_68 = vector.multi_reduction <add>, %exp3A_66, %reduce_sum3A_67 [1] : vector<2048x8xf32> to vector<2048xf32>
    %broadcast_in_dim3A_69 = vector.shape_cast %reduce_sum3A_68 : vector<2048xf32> to vector<2048x1xf32>
    %div3A_70 = vector.broadcast %broadcast_in_dim3A_69 : vector<2048x1xf32> to vector<2048x8xf32>
    %div3A_71 = arith.divf %exp3A_66, %div3A_70 : vector<2048x8xf32>
    %broadcast_in_dim3A_72 = vector.shape_cast %reduce_min3A_48 : vector<2048xi32> to vector<2048x1xi32>
    %eq3A_73 = vector.broadcast %broadcast_in_dim3A_72 : vector<2048x1xi32> to vector<2048x8xi32>
    %eq3A_74 = arith.cmpi eq, %iota3A, %eq3A_73 : vector<2048x8xi32>
    %jit3A_75 = arith.constant 0.000000e+00 : f32
    %broadcast_in_dim3A_76 = vector.broadcast %jit3A_75 : f32 to vector<2048x8xf32>
    %select_n3A_77 = arith.select %eq3A_74, %div3A_71, %broadcast_in_dim3A_76 : vector<2048x8xi1>, vector<2048x8xf32>
    %reduce_sum3A_78 = arith.constant dense<0.000000e+00> : vector<2048xf32>
    %reduce_sum3A_79 = vector.multi_reduction <add>, %select_n3A_77, %reduce_sum3A_78 [1] : vector<2048x8xf32> to vector<2048xf32>
    %broadcast_in_dim3A_80 = vector.shape_cast %reduce_min3A_11 : vector<2048xi32> to vector<2048x1xi32>
    %swap3A_81 = arith.constant 0 : index
    %swap3A_82 = arith.constant 0 : index
    %swap3A_83 = vector.load %arg3[%swap3A_81, %swap3A_82] : memref<2048x1xi32, #tpu.memory_space<vmem>>, vector<2048x1xi32>
    tpu.vector_store %arg3[%swap3A_81, %swap3A_82], %broadcast_in_dim3A_80 {strides = array<i32>} : memref<2048x1xi32, #tpu.memory_space<vmem>>, vector<2048x1xi32>,
    %broadcast_in_dim3A_84 = vector.shape_cast %reduce_min3A_48 : vector<2048xi32> to vector<2048x1xi32>
    %swap3A_85 = arith.constant 0 : index
    %swap3A_86 = arith.constant 0 : index
    %swap3A_87 = vector.load %arg4[%swap3A_85, %swap3A_86] : memref<2048x1xi32, #tpu.memory_space<vmem>>, vector<2048x1xi32>
    tpu.vector_store %arg4[%swap3A_85, %swap3A_86], %broadcast_in_dim3A_84 {strides = array<i32>} : memref<2048x1xi32, #tpu.memory_space<vmem>>, vector<2048x1xi32>,
    %broadcast_in_dim3A_88 = vector.shape_cast %reduce_sum3A_35 : vector<2048xf32> to vector<2048x1xf32>
    %swap3A_89 = arith.constant 0 : index
    %swap3A_90 = arith.constant 0 : index
    %swap3A_91 = vector.load %arg5[%swap3A_89, %swap3A_90] : memref<2048x1xf32, #tpu.memory_space<vmem>>, vector<2048x1xf32>
    tpu.vector_store %arg5[%swap3A_89, %swap3A_90], %broadcast_in_dim3A_88 {strides = array<i32>} : memref<2048x1xf32, #tpu.memory_space<vmem>>, vector<2048x1xf32>,
    %broadcast_in_dim3A_92 = vector.shape_cast %reduce_sum3A_79 : vector<2048xf32> to vector<2048x1xf32>
    %swap3A_93 = arith.constant 0 : index
    %swap3A_94 = arith.constant 0 : index
    %swap3A_95 = vector.load %arg6[%swap3A_93, %swap3A_94] : memref<2048x1xf32, #tpu.memory_space<vmem>>, vector<2048x1xf32>
    tpu.vector_store %arg6[%swap3A_93, %swap3A_94], %broadcast_in_dim3A_92 {strides = array<i32>} : memref<2048x1xf32, #tpu.memory_space<vmem>>, vector<2048x1xf32>,
    return
  }
}

module attributes {stable_mosaic.version = 14 : i64} {
  func.func @_moe_kernel(%arg0: i32, %arg1: i32, %arg2: memref<6144xi32, #tpu.memory_space<smem>>, %arg3: memref<24xi32, #tpu.memory_space<smem>>, %arg4: memref<24xi32, #tpu.memory_space<smem>>, %arg5: memref<2048x1024xf32, #tpu.memory_space<vmem>>, %arg6: memref<1x1024x1024xf32, #tpu.memory_space<vmem>>, %arg7: memref<1x1024x1024xf32, #tpu.memory_space<vmem>>, %arg8: memref<1x1024x1024xf32, #tpu.memory_space<vmem>>, %arg9: memref<256x1xf32, #tpu.memory_space<vmem>>, %arg10: memref<256x1024xf32, #tpu.memory_space<vmem>>, %arg11: memref<256x1024xf32, #tpu.memory_space<vmem>>) attributes {dimension_semantics = [#tpu.dimension_semantics<arbitrary>, #tpu.dimension_semantics<arbitrary>], iteration_bounds = array<i64: 24, 4>, scalar_prefetch = 3 : i64, scratch_operands = 1 : i64, tpu.core_type = #tpu.core_type<tc>, window_params = [{pipeline_mode = #tpu.pipeline_mode<synchronous>, transform_indices = @transform_0, window_bounds = array<i64: 2048, 1024>}, {transform_indices = @transform_1, window_bounds = array<i64: 1, 1024, 1024>}, {transform_indices = @transform_2, window_bounds = array<i64: 1, 1024, 1024>}, {transform_indices = @transform_3, window_bounds = array<i64: 1, 1024, 1024>}, {transform_indices = @transform_4, window_bounds = array<i64: 256, 1>}, {transform_indices = @transform_5, window_bounds = array<i64: 256, 1024>}]} {
    %eq3A = arith.constant 0 : i32
    %eq3A_0 = arith.cmpi eq, %arg1, %eq3A : i32
    %convert_element_type3A = arith.extui %eq3A_0 : i1 to i32
    %cond3A = arith.constant 0 : i32
    %cond3A_1 = arith.cmpi ne, %convert_element_type3A, %cond3A : i32
    scf.if %cond3A_1 {
      %scan3A = arith.constant 0 : i32
      %scan3A_14 = arith.constant 256 : i32
      %scan3A_15 = arith.addi %scan3A, %scan3A_14 : i32
      %scan3A_16 = arith.constant 1 : i32
      scf.for %scan3A_18 = %scan3A to %scan3A_15 step %scan3A_16  : i32 {
        %mul3A = arith.constant 256 : i32
        %mul3A_19 = arith.muli %arg0, %mul3A : i32
        %add3A = arith.addi %mul3A_19, %scan3A_18 : i32
        %get3A_20 = arith.index_cast %add3A : i32 to index
        %get3A_21 = memref.load %arg2[%get3A_20] : memref<6144xi32, #tpu.memory_space<smem>>
        %get3A_22 = arith.index_cast %get3A_21 : i32 to index
        %get3A_23 = arith.constant 0 : index
        %get3A_24 = vector.load %arg5[%get3A_22, %get3A_23] : memref<2048x1024xf32, #tpu.memory_space<vmem>>, vector<1x1024xf32>
        %get3A_25 = vector.shape_cast %get3A_24 : vector<1x1024xf32> to vector<1024xf32>
        %swap3A = arith.index_cast %scan3A_18 : i32 to index
        %swap3A_26 = arith.constant 0 : index
        %swap3A_27 = vector.load %arg11[%swap3A, %swap3A_26] : memref<256x1024xf32, #tpu.memory_space<vmem>>, vector<1x1024xf32>
        %swap3A_28 = vector.shape_cast %swap3A_27 : vector<1x1024xf32> to vector<1024xf32>
        %swap3A_29 = vector.shape_cast %get3A_25 : vector<1024xf32> to vector<1x1024xf32>
        tpu.vector_store %arg11[%swap3A, %swap3A_26], %swap3A_29 {strides = array<i32>} : memref<256x1024xf32, #tpu.memory_space<vmem>>, vector<1x1024xf32>,
      }
      %scan3A_17 = arith.constant 256 : i32
    } else {
    }
    %get3A = arith.index_cast %arg0 : i32 to index
    %get3A_2 = memref.load %arg4[%get3A] : memref<24xi32, #tpu.memory_space<smem>>
    %eq3A_3 = arith.constant 1 : i32
    %eq3A_4 = arith.cmpi eq, %get3A_2, %eq3A_3 : i32
    %convert_element_type3A_5 = arith.extui %eq3A_4 : i1 to i32
    %cond3A_6 = arith.constant 0 : i32
    %cond3A_7 = arith.cmpi ne, %convert_element_type3A_5, %cond3A_6 : i32
    scf.if %cond3A_7 {
      %get3A_14 = arith.constant 0 : index
      %get3A_15 = arith.constant 0 : index
      %get3A_16 = vector.load %arg11[%get3A_14, %get3A_15] : memref<256x1024xf32, #tpu.memory_space<vmem>>, vector<256x1024xf32>
      %get3A_17 = arith.constant 0 : index
      %get3A_18 = arith.constant 0 : index
      %get3A_19 = arith.constant 0 : index
      %get3A_20 = vector.load %arg6[%get3A_17, %get3A_18, %get3A_19] : memref<1x1024x1024xf32, #tpu.memory_space<vmem>>, vector<1x1024x1024xf32>
      %get3A_21 = vector.shape_cast %get3A_20 : vector<1x1024x1024xf32> to vector<1024x1024xf32>
      %dot_general3A = arith.constant dense<0.000000e+00> : vector<256x1024xf32>
      %dot_general3A_22 = tpu.matmul %get3A_16, %get3A_21, %dot_general3A {dimension_numbers = #tpu.dot_dimension_numbers<[1], [1], [0], [0], [0, 0, 1, 0], [], []>, transpose_lhs_hint = false} : vector<256x1024xf32>, vector<1024x1024xf32>, vector<256x1024xf32> -> vector<256x1024xf32>
      %get3A_23 = arith.constant 0 : index
      %get3A_24 = arith.constant 0 : index
      %get3A_25 = arith.constant 0 : index
      %get3A_26 = vector.load %arg7[%get3A_23, %get3A_24, %get3A_25] : memref<1x1024x1024xf32, #tpu.memory_space<vmem>>, vector<1x1024x1024xf32>
      %get3A_27 = vector.shape_cast %get3A_26 : vector<1x1024x1024xf32> to vector<1024x1024xf32>
      %dot_general3A_28 = arith.constant dense<0.000000e+00> : vector<256x1024xf32>
      %dot_general3A_29 = tpu.matmul %get3A_16, %get3A_27, %dot_general3A_28 {dimension_numbers = #tpu.dot_dimension_numbers<[1], [1], [0], [0], [0, 0, 1, 0], [], []>, transpose_lhs_hint = false} : vector<256x1024xf32>, vector<1024x1024xf32>, vector<256x1024xf32> -> vector<256x1024xf32>
      %logistic3A = arith.negf %dot_general3A_22 : vector<256x1024xf32>
      %logistic3A_30 = math.exp %logistic3A : vector<256x1024xf32>
      %logistic3A_31 = arith.constant 1.000000e+00 : f32
      %logistic3A_32 = vector.broadcast %logistic3A_31 : f32 to vector<256x1024xf32>
      %logistic3A_33 = arith.addf %logistic3A_32, %logistic3A_30 : vector<256x1024xf32>
      %logistic3A_34 = arith.divf %logistic3A_32, %logistic3A_33 : vector<256x1024xf32>
      %mul3A = arith.mulf %dot_general3A_22, %logistic3A_34 : vector<256x1024xf32>
      %mul3A_35 = arith.mulf %mul3A, %dot_general3A_29 : vector<256x1024xf32>
      %get3A_36 = arith.constant 0 : index
      %get3A_37 = arith.constant 0 : index
      %get3A_38 = arith.constant 0 : index
      %get3A_39 = vector.load %arg8[%get3A_36, %get3A_37, %get3A_38] : memref<1x1024x1024xf32, #tpu.memory_space<vmem>>, vector<1x1024x1024xf32>
      %get3A_40 = vector.shape_cast %get3A_39 : vector<1x1024x1024xf32> to vector<1024x1024xf32>
      %dot_general3A_41 = arith.constant dense<0.000000e+00> : vector<256x1024xf32>
      %dot_general3A_42 = tpu.matmul %mul3A_35, %get3A_40, %dot_general3A_41 {dimension_numbers = #tpu.dot_dimension_numbers<[1], [1], [0], [0], [0, 0, 1, 0], [], []>, transpose_lhs_hint = false} : vector<256x1024xf32>, vector<1024x1024xf32>, vector<256x1024xf32> -> vector<256x1024xf32>
      %get3A_43 = arith.constant 0 : index
      %get3A_44 = arith.constant 0 : index
      %get3A_45 = vector.load %arg9[%get3A_43, %get3A_44] : memref<256x1xf32, #tpu.memory_space<vmem>>, vector<256x1xf32>
      %mul3A_46 = vector.broadcast %get3A_45 : vector<256x1xf32> to vector<256x1024xf32>
      %mul3A_47 = arith.mulf %dot_general3A_42, %mul3A_46 : vector<256x1024xf32>
      %eq3A_48 = arith.constant 0 : i32
      %eq3A_49 = arith.cmpi eq, %arg1, %eq3A_48 : i32
      %convert_element_type3A_50 = arith.extui %eq3A_49 : i1 to i32
      %cond3A_51 = arith.constant 0 : i32
      %cond3A_52 = arith.cmpi ne, %convert_element_type3A_50, %cond3A_51 : i32
      scf.if %cond3A_52 {
        %swap3A = arith.constant 0 : index
        %swap3A_57 = arith.constant 0 : index
        %swap3A_58 = vector.load %arg10[%swap3A, %swap3A_57] : memref<256x1024xf32, #tpu.memory_space<vmem>>, vector<256x1024xf32>
        tpu.vector_store %arg10[%swap3A, %swap3A_57], %mul3A_47 {strides = array<i32>} : memref<256x1024xf32, #tpu.memory_space<vmem>>, vector<256x1024xf32>,
      } else {
      }
      %ne3A = arith.constant 0 : i32
      %ne3A_53 = arith.cmpi ne, %arg1, %ne3A : i32
      %convert_element_type3A_54 = arith.extui %ne3A_53 : i1 to i32
      %cond3A_55 = arith.constant 0 : i32
      %cond3A_56 = arith.cmpi ne, %convert_element_type3A_54, %cond3A_55 : i32
      scf.if %cond3A_56 {
        %get3A_57 = arith.constant 0 : index
        %get3A_58 = arith.constant 0 : index
        %get3A_59 = vector.load %arg10[%get3A_57, %get3A_58] : memref<256x1024xf32, #tpu.memory_space<vmem>>, vector<256x1024xf32>
        %add3A = arith.addf %get3A_59, %mul3A_47 : vector<256x1024xf32>
        %swap3A = arith.constant 0 : index
        %swap3A_60 = arith.constant 0 : index
        %swap3A_61 = vector.load %arg10[%swap3A, %swap3A_60] : memref<256x1024xf32, #tpu.memory_space<vmem>>, vector<256x1024xf32>
        tpu.vector_store %arg10[%swap3A, %swap3A_60], %add3A {strides = array<i32>} : memref<256x1024xf32, #tpu.memory_space<vmem>>, vector<256x1024xf32>,
      } else {
      }
    } else {
    }
    %not3A = arith.constant true
    %not3A_8 = arith.xori %eq3A_4, %not3A : i1
    %eq3A_9 = arith.constant 0 : i32
    %eq3A_10 = arith.cmpi eq, %arg1, %eq3A_9 : i32
    %and3A = arith.andi %not3A_8, %eq3A_10 : i1
    %convert_element_type3A_11 = arith.extui %and3A : i1 to i32
    %cond3A_12 = arith.constant 0 : i32
    %cond3A_13 = arith.cmpi ne, %convert_element_type3A_11, %cond3A_12 : i32
    scf.if %cond3A_13 {
      %broadcast_in_dim3A = arith.constant 0.000000e+00 : f32
      %broadcast_in_dim3A_14 = vector.broadcast %broadcast_in_dim3A : f32 to vector<256x1024xf32>
      %swap3A = arith.constant 0 : index
      %swap3A_15 = arith.constant 0 : index
      %swap3A_16 = vector.load %arg10[%swap3A, %swap3A_15] : memref<256x1024xf32, #tpu.memory_space<vmem>>, vector<256x1024xf32>
      tpu.vector_store %arg10[%swap3A, %swap3A_15], %broadcast_in_dim3A_14 {strides = array<i32>} : memref<256x1024xf32, #tpu.memory_space<vmem>>, vector<256x1024xf32>,
    } else {
    }
    return
  }
  func.func @transform_0(%arg0: i32, %arg1: i32, %arg2: memref<6144xi32, #tpu.memory_space<smem>>, %arg3: memref<24xi32, #tpu.memory_space<smem>>, %arg4: memref<24xi32, #tpu.memory_space<smem>>) -> (i32, i32) {
    %c0_i32 = arith.constant 0 : i32
    %c0_i32_0 = arith.constant 0 : i32
    %c0_i32_1 = arith.constant 0 : i32
    return %c0_i32, %c0_i32_0 : i32, i32
  }
  func.func @transform_1(%arg0: i32, %arg1: i32, %arg2: memref<6144xi32, #tpu.memory_space<smem>>, %arg3: memref<24xi32, #tpu.memory_space<smem>>, %arg4: memref<24xi32, #tpu.memory_space<smem>>) -> (i32, i32, i32) {
    %get3A = arith.index_cast %arg0 : i32 to index
    %get3A_0 = memref.load %arg3[%get3A] : memref<24xi32, #tpu.memory_space<smem>>
    %c0_i32 = arith.constant 0 : i32
    %c0_i32_1 = arith.constant 0 : i32
    return %get3A_0, %arg1, %c0_i32 : i32, i32, i32
  }
  func.func @transform_2(%arg0: i32, %arg1: i32, %arg2: memref<6144xi32, #tpu.memory_space<smem>>, %arg3: memref<24xi32, #tpu.memory_space<smem>>, %arg4: memref<24xi32, #tpu.memory_space<smem>>) -> (i32, i32, i32) {
    %get3A = arith.index_cast %arg0 : i32 to index
    %get3A_0 = memref.load %arg3[%get3A] : memref<24xi32, #tpu.memory_space<smem>>
    %c0_i32 = arith.constant 0 : i32
    %c0_i32_1 = arith.constant 0 : i32
    return %get3A_0, %arg1, %c0_i32 : i32, i32, i32
  }
  func.func @transform_3(%arg0: i32, %arg1: i32, %arg2: memref<6144xi32, #tpu.memory_space<smem>>, %arg3: memref<24xi32, #tpu.memory_space<smem>>, %arg4: memref<24xi32, #tpu.memory_space<smem>>) -> (i32, i32, i32) {
    %get3A = arith.index_cast %arg0 : i32 to index
    %get3A_0 = memref.load %arg3[%get3A] : memref<24xi32, #tpu.memory_space<smem>>
    %c0_i32 = arith.constant 0 : i32
    %c0_i32_1 = arith.constant 0 : i32
    return %get3A_0, %c0_i32, %arg1 : i32, i32, i32
  }
  func.func @transform_4(%arg0: i32, %arg1: i32, %arg2: memref<6144xi32, #tpu.memory_space<smem>>, %arg3: memref<24xi32, #tpu.memory_space<smem>>, %arg4: memref<24xi32, #tpu.memory_space<smem>>) -> (i32, i32) {
    %c0_i32 = arith.constant 0 : i32
    %c0_i32_0 = arith.constant 0 : i32
    return %arg0, %c0_i32 : i32, i32
  }
  func.func @transform_5(%arg0: i32, %arg1: i32, %arg2: memref<6144xi32, #tpu.memory_space<smem>>, %arg3: memref<24xi32, #tpu.memory_space<smem>>, %arg4: memref<24xi32, #tpu.memory_space<smem>>) -> (i32, i32) {
    %c0_i32 = arith.constant 0 : i32
    %c0_i32_0 = arith.constant 0 : i32
    return %arg0, %c0_i32 : i32, i32
  }
}

module attributes {stable_mosaic.version = 14 : i64} {
  func.func @_combine_kernel(%arg0: i32, %arg1: memref<2048xi32, #tpu.memory_space<smem>>, %arg2: memref<2048xi32, #tpu.memory_space<smem>>, %arg3: memref<6144x1024xf32, #tpu.memory_space<vmem>>, %arg4: memref<256x1024xf32, #tpu.memory_space<vmem>>) attributes {dimension_semantics = [#tpu.dimension_semantics<arbitrary>], iteration_bounds = array<i64: 8>, scalar_prefetch = 2 : i64, scratch_operands = 0 : i64, tpu.core_type = #tpu.core_type<tc>, window_params = [{pipeline_mode = #tpu.pipeline_mode<synchronous>, transform_indices = @transform_0, window_bounds = array<i64: 6144, 1024>}, {transform_indices = @transform_1, window_bounds = array<i64: 256, 1024>}]} {
    %scan3A = arith.constant 0 : i32
    %scan3A_0 = arith.constant 256 : i32
    %scan3A_1 = arith.addi %scan3A, %scan3A_0 : i32
    %scan3A_2 = arith.constant 1 : i32
    scf.for %scan3A_4 = %scan3A to %scan3A_1 step %scan3A_2  : i32 {
      %mul3A = arith.constant 256 : i32
      %mul3A_5 = arith.muli %arg0, %mul3A : i32
      %add3A = arith.addi %mul3A_5, %scan3A_4 : i32
      %get3A = arith.index_cast %add3A : i32 to index
      %get3A_6 = memref.load %arg1[%get3A] : memref<2048xi32, #tpu.memory_space<smem>>
      %get3A_7 = arith.index_cast %get3A_6 : i32 to index
      %get3A_8 = arith.constant 0 : index
      %get3A_9 = vector.load %arg3[%get3A_7, %get3A_8] : memref<6144x1024xf32, #tpu.memory_space<vmem>>, vector<1x1024xf32>
      %get3A_10 = vector.shape_cast %get3A_9 : vector<1x1024xf32> to vector<1024xf32>
      %get3A_11 = arith.index_cast %add3A : i32 to index
      %get3A_12 = memref.load %arg2[%get3A_11] : memref<2048xi32, #tpu.memory_space<smem>>
      %get3A_13 = arith.index_cast %get3A_12 : i32 to index
      %get3A_14 = arith.constant 0 : index
      %get3A_15 = vector.load %arg3[%get3A_13, %get3A_14] : memref<6144x1024xf32, #tpu.memory_space<vmem>>, vector<1x1024xf32>
      %get3A_16 = vector.shape_cast %get3A_15 : vector<1x1024xf32> to vector<1024xf32>
      %add3A_17 = arith.addf %get3A_10, %get3A_16 : vector<1024xf32>
      %swap3A = arith.index_cast %scan3A_4 : i32 to index
      %swap3A_18 = arith.constant 0 : index
      %swap3A_19 = vector.load %arg4[%swap3A, %swap3A_18] : memref<256x1024xf32, #tpu.memory_space<vmem>>, vector<1x1024xf32>
      %swap3A_20 = vector.shape_cast %swap3A_19 : vector<1x1024xf32> to vector<1024xf32>
      %swap3A_21 = vector.shape_cast %add3A_17 : vector<1024xf32> to vector<1x1024xf32>
      tpu.vector_store %arg4[%swap3A, %swap3A_18], %swap3A_21 {strides = array<i32>} : memref<256x1024xf32, #tpu.memory_space<vmem>>, vector<1x1024xf32>,
    }
    %scan3A_3 = arith.constant 256 : i32
    return
  }
  func.func @transform_0(%arg0: i32, %arg1: memref<2048xi32, #tpu.memory_space<smem>>, %arg2: memref<2048xi32, #tpu.memory_space<smem>>) -> (i32, i32) {
    %c0_i32 = arith.constant 0 : i32
    %c0_i32_0 = arith.constant 0 : i32
    %c0_i32_1 = arith.constant 0 : i32
    return %c0_i32, %c0_i32_0 : i32, i32
  }
  func.func @transform_1(%arg0: i32, %arg1: memref<2048xi32, #tpu.memory_space<smem>>, %arg2: memref<2048xi32, #tpu.memory_space<smem>>) -> (i32, i32) {
    %c0_i32 = arith.constant 0 : i32
    %c0_i32_0 = arith.constant 0 : i32
    return %arg0, %c0_i32 : i32, i32
  }
}

</mosaic_0001>

<sc_bundles>
// kernel: gather_offload_async_start
scs
__scs_entry_jumppad:
0x0: {  	(pc) =	sbr.rel $0x88, $3  }
0x1: {  	(tag) =	ssettag $0x0;
	lr =	simm.s32 $0x1  }
0x2: {  	[smem:$0x3F9C] =	sst lr;
	_ =	strace $0xD0000000  }
0x3: {  	_ = 	snop  }
0x4: {  	_ = 	snop  }
0x5: {  	_ = 	snop  }
0x6: {  	_ = 	snop  }
0x7: {  	_ = 	snop  }
__scs_overlays_trampoline_lowered:
0x8: {  	[smem:$0x3FAB] =	sst s0  }
0x9: {  	[smem:$0x3FAC] =	sst s1  }
0xa: {  	[smem:$0x3FAD] =	sst s2  }
0xb: {  	[smem:$0x3FAE] =	sst s3  }
0xc: {  	[smem:$0x3FAF] =	sst s4  }
0xd: {  	[smem:$0x3FB0] =	sst s5  }
0xe: {  	[smem:$0x3FB1] =	sst s6  }
0xf: {  	[smem:$0x3FB2] =	sst s7  }
0x10: {  	[smem:$0x3FB3] =	sst s8  }
0x11: {  	[smem:$0x3FB4] =	sst s9;
	s0 =	simm.s32 @!p0 $0x0  }
0x12: {  	s1 =	sld [smem:$0x3F9A];
	s0 =	simm.s32 @p0 $0x1  }
0x13: {  	[smem:$0x3FB5] =	sst s0;
	s0 =	simm.s32 @!p1 $0x0  }
0x14: {  	s2 =	sld [smem:$0x3F99];
	s0 =	simm.s32 @p1 $0x1  }
0x15: {  	[smem:$0x3FB6] =	sst s0;
	s0 =	simm.s32 @!p2 $0x0  }
0x16: {  	s3 =	sld [smem:$0x3FDB];
	s0 =	simm.s32 @p2 $0x1  }
0x17: {  	s4 =	simm.s32 $0x1BF5;
	[smem:$0x3FB8] =	sst s0  }
0x18: {  	s0 =	sld [smem:$0x3F9B];
	_ =	swait.ge [sflag:s4], $0x0  }
0x19: {  	s7 =	sld [smem:$0x3F9C]  }
0x1a: {  	s8 =	sadd.s32 $0xFFFFE003, lr  }
0x1b: {  	s9 =	sadd.s32 $0xFFFFFEF7, lr;
	s5 =	simm.s32 $0xFFFFFFFF;
	p2 =	slt.u32 s8, $0xFFFFF086  }
0x1c: {  	p1 =	slt.u32 s9, $0xF7A;
	s5 =	simm.s32 @!p2 $0x0  }
0x1d: {  	s5 =	simm.s32 @p1 $0x1;
	p0 =	seq.s32 s7, s2  }
0x1e: {  	s7 =	smul.u32 @!p0 $0xF7A, s2;
	p2 =	seq.s32 @!p0 s5, $0x0  }
0x1f: {  	s9 =	smul.u32 $0xF7A, s1;
	s8 =	simm.s32 @!p0 $0x1BF5;
	p2 =	por !p2, p0  }
0x20: {  	[sflag:s8] =	ssyncset.s32 @!p0 $0xFFFFF086;
	s6 =	sadd.s32 @!p0 s3, s7;
	s7 =	simm.s32 @!p0 $0x108  }
0x21: {  	s3 =	sadd.s32 s3, s9;
	s6 =	sadd.s32 @!p0 $0x88, s6;
	s7 =	simm.s32 @p2 $0x1082  }
0x22: {  	[simem:s7], [sflag:s8] =	dma.local @!p0 [hbm:s6], $0xF7A  }
0x23: {  	s9 =	sor.u32 $0xD0000000, s2;
	s6 =	simm.s32 $0x108;
	_ =	swait.ge @!p0 [sflag:s8], $0x0  }
0x24: {  	s3 =	sadd.s32 $0x88, s3;
	s6 =	simm.s32 @!p1 $0x1082;
	[sflag:s4] =	ssyncset.s32 $0xFFFFF086  }
0x25: {  	[simem:s6], [sflag:s4] =	dma.local [hbm:s3], $0xF7A  }
0x26: {  	[smem:$0x3F9C] =	sst s1;
	(tag) =	ssettag s2;
	_ =	strace s9  }
0x27: {  	s1 =	sld [smem:$0x3FAC]  }
0x28: {  	s2 =	sld [smem:$0x3FAD]  }
0x29: {  	s4 =	sld [smem:$0x3FAF]  }
0x2a: {  	p0 =	seq.s32 s5, $0x0;
	s5 =	sld [smem:$0x3FB0]  }
0x2b: {  	s6 =	sld [smem:$0x3FB1]  }
0x2c: {  	s7 =	sld [smem:$0x3FB2]  }
0x2d: {  	s3 =	simm.s32 $0x108;
	s8 =	sld [smem:$0x3FB3]  }
0x2e: {  	s3 =	simm.s32 @!p0 $0x1082;
	s9 =	sld [smem:$0x3FB4]  }
0x2f: {  	lr =	sadd.s32 s0, s3;
	s0 =	sld [smem:$0x3FAB]  }
0x30: {  	s3 =	sld [smem:$0x3FAE]  }
0x31: {  	[smem:$0x3FB7] =	sst s10  }
0x32: {  	s10 =	sld [smem:$0x3FB5];
	_ =	sdelay $0x3  }
0x33: {  	p0 =	seq.s32 s10, $0x1;
	s10 =	sld [smem:$0x3FB7];
	_ =	sdelay $0x3  }
0x34: {  	[smem:$0x3FB7] =	sst s10  }
0x35: {  	s10 =	sld [smem:$0x3FB6];
	_ =	sdelay $0x3  }
0x36: {  	p1 =	seq.s32 s10, $0x1;
	s10 =	sld [smem:$0x3FB7];
	_ =	sdelay $0x3  }
0x37: {  	[smem:$0x3FB7] =	sst s10  }
0x38: {  	s10 =	sld [smem:$0x3FB8]  }
0x39: {  	_ = 	snop;
	(pc) =	sbr.ind lr, $3  }
0x3a: {  	_ = 	snop  }
0x3b: {  	_ = 	snop  }
0x3c: {  	p2 =	seq.s32 s10, $0x1;
	s10 =	sld [smem:$0x3FB7]  }
0x3d: {  	_ =	shalt  }
0x3e: {  	_ =	shalt  }
0x3f: {  	_ =	shalt  }
0x40: {  	_ =	shalt  }
0x41: {  	_ =	shalt  }
0x42: {  	_ =	shalt  }
0x43: {  	_ =	shalt  }
0x44: {  	_ =	shalt  }
0x45: {  	_ =	shalt  }
0x46: {  	_ =	shalt  }
0x47: {  	_ =	shalt  }
0x48: {  	_ =	shalt  }
0x49: {  	_ =	shalt  }
0x4a: {  	_ =	shalt  }
0x4b: {  	_ =	shalt  }
0x4c: {  	_ =	shalt  }
0x4d: {  	_ =	shalt  }
0x4e: {  	_ =	shalt  }
0x4f: {  	_ =	shalt  }
0x50: {  	_ =	shalt  }
0x51: {  	_ =	shalt  }
0x52: {  	_ =	shalt  }
0x53: {  	_ =	shalt  }
0x54: {  	_ =	shalt  }
0x55: {  	_ =	shalt  }
0x56: {  	_ =	shalt  }
0x57: {  	_ =	shalt  }
0x58: {  	_ =	shalt  }
0x59: {  	_ =	shalt  }
0x5a: {  	_ =	shalt  }
0x5b: {  	_ =	shalt  }
0x5c: {  	_ =	shalt  }
0x5d: {  	_ =	shalt  }
0x5e: {  	_ =	shalt  }
0x5f: {  	_ =	shalt  }
0x60: {  	_ =	shalt  }
0x61: {  	_ =	shalt  }
0x62: {  	_ =	shalt  }
0x63: {  	_ =	shalt  }
0x64: {  	_ =	shalt  }
0x65: {  	_ =	shalt  }
0x66: {  	_ =	shalt  }
0x67: {  	_ =	shalt  }
0x68: {  	_ =	shalt  }
0x69: {  	_ =	shalt  }
0x6a: {  	_ =	shalt  }
0x6b: {  	_ =	shalt  }
0x6c: {  	_ =	shalt  }
0x6d: {  	_ =	shalt  }
0x6e: {  	_ =	shalt  }
0x6f: {  	_ =	shalt  }
0x70: {  	_ =	shalt  }
0x71: {  	_ =	shalt  }
0x72: {  	_ =	shalt  }
0x73: {  	_ =	shalt  }
0x74: {  	_ =	shalt  }
0x75: {  	_ =	shalt  }
0x76: {  	_ =	shalt  }
0x77: {  	_ =	shalt  }
0x78: {  	_ =	shalt  }
0x79: {  	_ =	shalt  }
0x7a: {  	_ =	shalt  }
0x7b: {  	_ =	shalt  }
0x7c: {  	_ =	shalt  }
0x7d: {  	_ =	shalt  }
0x7e: {  	_ =	shalt  }
0x7f: {  	_ =	shalt  }
0x80: {  	_ =	shalt  }
0x81: {  	_ =	shalt  }
0x82: {  	_ =	shalt  }
0x83: {  	_ =	shalt  }
0x84: {  	_ =	shalt  }
0x85: {  	_ =	shalt  }
0x86: {  	_ =	shalt  }
0x87: {  	_ =	shalt  }
.Lfunc_end0:
.L_simem_size_0:
called_computation_lowered:
.L_overlay_start_0:
0x88: {  	s2 =	sld [smem:$0x3FD9]  }
0x89: {  	s3 =	sld [smem:$0x3FFE];
	_ =	sdelay $0x1  }
0x8a: {  	s1 =	srdreg.scid  }
0x8b: {  	s0 =	sand.u32 $0x1, s1  }
0x8c: {  	s14 =	sshll.u32 s0, $0xA;
	s2 =	sadd.s32 s3, s2  }
0x8d: {  	s2 =	sadd.s32 s2, s14  }
0x8e: {  	[smem:$0x3FC3] =	sst s2  }
0x8f: {  	_ = 	snop  }
0x90: {  	s2 =	sld [smem:$0x3FD0];
	_ =	sdelay $0x2  }
0x91: {  	s15 =	simm.s32 $0xA;
	s4 =	simm.s32 $0x10  }
0x92: {  	[smem:s4], [sflag:s15] =	dma.local [hbm:s2], $0x1  }
0x93: {  	_ =	swait.eq [sflag:s15], $0x1  }
0x94: {  	[sflag:s15] =	ssyncset.done $0x0  }
0x95: {  	[sflag:s15] =	ssyncadd.s32 $0xFFFFFFFF  }
0x96: {  	s16 =	sld [smem:$0x10];
	(tm) =	ssettm $0x1  }
0x97: {  	s17 =	sld [smem:$0x3FFB];
	_ =	sdelay $0x3  }
0x98: {  	_ =	strace s17  }
0x99: {  	s3 =	sld [smem:$0x3FFC];
	_ =	sdelay $0x3  }
0x9a: {  	_ =	strace s3  }
0x9b: {  	s3 =	sld [smem:$0x3FFD];
	_ =	sdelay $0x3  }
0x9c: {  	_ =	strace s3  }
0x9d: {  	_ =	strace $0x8FFFFFFF  }
0x9e: {  	s18 =	sld [smem:$0x3FDB];
	_ =	sdelay $0x1  }
0x9f: {  	s19 =	simm.s32 $_scs_section_size  }
0xa0: {  	s5 =	simm.s32 $_size__tile_overlayer_lowered;
	s6 =	simm.s32 $_tile_overlayer_lowered  }
0xa1: {  	s22 =	simm.s32 $0x1BFF;
	s21 =	sshll.u32 s6, $0x1;
	s3 =	sadd.s32 s19, s18  }
0xa2: {  	s7 =	simm.s32 $0x0;
	s20 =	sshll.u32 s5, $0x1;
	s5 =	sadd.s32 s21, s3  }
0xa3: {  	[timem:s7], [sflag:s22] =	dma.local [hbm:s5], s20  }
0xa4: {  	_ =	swait.ge [sflag:s22], s20  }
0xa5: {  	s4 =	ssub.s32 $0x0, s20;
	[sflag:s22] =	ssyncset.done $0x0  }
0xa6: {  	[sflag:s22] =	ssyncadd.s32 s4;
	_ =	sdelay $0x1  }
0xa7: {  	s23 =	simm.s32 $0x1B8B  }
0xa8: {  	_ =	swait.ge [sflag:s23], $0x1  }
0xa9: {  	[sflag:s23] =	ssyncset.done $0x0  }
0xaa: {  	s25 =	simm.s32 $0x1B8E;
	s24 =	sld [smem:$0x3FFE];
	[sflag:s23] =	ssyncadd.s32 $0xFFFFFFFF  }
0xab: {  	s26 =	simm.s32 $execute0_lowered;
	[smem:$0x3FD2] =	sst s25  }
0xac: {  	s5 =	sshll.u32 s26, $0x1;
	_ =	strace $0x80000046;
	[dreg:$0x1] =	wrdreg $0xFFFFFFFF  }
0xad: {  	s28 =	simm.s32 $_size_execute0_lowered;
	s3 =	sadd.s32 s3, s5;
	[dreg:$0x0] =	wrdreg $0x0  }
0xae: {  	s5 =	sshll.u32 s28, $0x1;
	[dreg:$0x2] =	wrdreg s3  }
0xaf: {  	[dreg:$0x3] =	wrdreg s5  }
0xb0: {  	[dreg:$0x4] =	wrdreg $0xC0  }
0xb1: {  	_ =	task [dreg:s7], $0x5FFFF  }
0xb2: {  	[dreg:$0x1] =	wrdreg $0xFFFFFFFF  }
0xb3: {  	[dreg:$0x0] =	wrdreg $0x60  }
0xb4: {  	[dreg:$0x2] =	wrdreg s16  }
0xb5: {  	[dreg:$0x3] =	wrdreg s24  }
0xb6: {  	[dreg:$0x4] =	wrdreg $0x9  }
0xb7: {  	_ =	task.clear_ibuf [dreg:s7], $0x5FFFF;
	_ =	strace $0x90000046  }
0xb8: {  	s29 =	simm.s32 $0x9;
	_ =	strace $0x80000048  }
0xb9: {  	_ =	swait.ge [sflag:s29], $0x1  }
0xba: {  	[sflag:s29] =	ssyncadd.s32 $0xFFFFFFFF  }
0xbb: {  	_ =	strace $0x90000048  }
0xbc: {  	_ =	sfence  }
0xbd: {  	s30 =	sld [smem:$0x0];
	_ =	sdelay $0x2  }
0xbe: {  	s31 =	sshll.u32 s1, $0xD;
	s1 =	sshrl.u32 s1, $0x2  }
0xbf: {  	s3 =	sand.u32 $0x4000, s31;
	s1 =	sadd.s32 s1, s30  }
0xc0: {  	s0 =	sor.u32 s3, s0;
	s1 =	sshll.u32 s1, $0x11  }
0xc1: {  	s0 =	sor.u32 s1, s0  }
0xc2: {  	s0 =	sadd.s32 $0x8F2B, s0  }
0xc3: {  	[sflag:s0] =	ssyncadd.remote.s32 $0x1  }
0xc4: {  	_ =	sfence.sel $0xFFFF  }
0xc5: {  	[dreg:$0x0] =	wrdreg $0xFFFFFFFF;
	(pc) =	sbr.abs _section_cstart, $3  }
0xc6: {  	[dreg:$0x1] =	wrdreg $0xFFFFFFFF  }
0xc7: {  	_ =	task.clear_ibuf [dreg:s7], $0x2FFFF;
	_ =	strace $0x9FFFFFFF  }
0xc8: {  	(tm) =	ssettm $0x7FFFFFFF  }
0xc9: {  	_ =	shalt  }
tec
execute0_lowered:
.L_overlay_start_1:
0x0: {  	(tag) =	ssettag $0x1  }
0x1: {  	s1 =	srdreg.scid;
	s2 =	rddreg [dreg:$0x0]  }
0x2: {  	s0 =	stileid.u32;
	s5 =	rddreg [dreg:$0x1];
	s6 =	simm.s32 $0x1  }
0x3: {  	s9 =	simm.s32 $0x1;
	s10 =	simm.s32 $0x3;
	s1 =	sshll.u32 s1, $0x6  }
0x4: {  	s13 =	simm.s32 $0x0;
	s3 =	sshll.u32 s0, $0x7;
	s4 =	sand.u32 $0x40, s1  }
0x5: {  	s12 =	simm.s32 $0x0;
	s1 =	rddreg [dreg:$0x2];
	s3 =	sor.u32 s3, s4  }
0x6: {  	_ =	strace $0x80000047;
	s4 =	sadd.s32 $0x200, s5;
	s8 =	ssub.s32 $0x1000, s3  }
.Ltmp0:
0x7: {  	s5 =	sadd.s32 $0x400, s5;
	s7 =	sand.u32 $0x7C0, s8;
	(pc) =	sbr.rel .LBB2_1-.Ltmp0, $4  }
0x8: {  	[sflag:s6] =	ssyncpa.u1 $0x0;
	s11 =	smov.u32 s3;
	p0 =	sne.s32 s7, $0x0  }
0x9: {  	s8 =	sshrl.u32 s8, $0xB;
	s7 =	simm.s32 $0x2;
	s9 =	simm.s32 @!p0 $0x0  }
0xa: {  	[sflag:s7] =	ssyncpa.u1 $0x0;
	p0 =	por $0x0, $0x0;
	s8 =	sadd.s32 s9, s8  }
0xb: {  	vm0 =	vmmov $0xffff;
	[sflag:s10] =	ssyncpa.u1 $0x0;
	s10 =	simm.s32 $0x0;
	s9 =	sadd.s32 $0x1, s8  }
.LBB2_4:
0xc: {  	v5 =	vshrl.u32 v1, $0xC;
	v6 =	vshll.u32 v1, $0x7  }
0xd: {  	vm1 =	veq.s32 v1, $0x80000000;
	v58 =	vand.u32 $0x7, v5;
	v59 =	vand.u32 $0x7FF80, v6  }
0xe: {  	v1 =	vsel vm1, $0xFFFFFFFF, v58;
	v5 =	vsel vm1, $0xFFFFFF80, v59  }
0xf: {  	v3 =	vor.u32 v4, v3;
	v60 =	vand.u32 $0xFFFFFC00, v5;
	v61 =	vand.u32 $0xFFFFFC00, v1  }
0x10: {  	v2 =	vor.u32 v2, v3;
	v63 =	vand.u32 $0x380, v5;
	v62 =	vadd.s32 v61, v60  }
0x11: {  	v1 =	vand.u32 $0x7F, v1;
	v3 =	vor.u32 v63, v62  }
0x12: {  	v1 =	vor.u32 v1, v3  }
0x13: {  	[tilespmem:s15], [sflag:$0x1] =	stream.indirect_vreg.gather [hbm4b:s2+s10], $0x1, v0, vm0, $0x4038;
	[tilespmem:$0x100] =	vst v63  }
0x14: {  	(ifvalue) =	ssetifvalue $0x7FFFFFFF  }
0x15: {  	[tilespmem:s16], [sflag:$0x1] =	stream.indirect_vreg.gather [hbm4b:s2+s10], $0x1, v2, vm0, $0x4038;
	[tilespmem:$0x100] =	vst v63  }
0x16: {  	s29 =	sadd.s32 $0x10, s16;
	(ifvalue) =	ssetifvalue $0x7FFFFFFF  }
0x17: {  	[tilespmem:s29], [sflag:$0x1] =	stream.indirect_vreg.gather [hbm4b:s2+s10], $0x1, v1, vm0, $0x4038;
	[tilespmem:$0x100] =	vst v63  }
0x18: {  	_ =	swait.ge [sflag:s6], $0x40  }
0x19: {  	s30 =	sshrl.u32 s13, $0x3;
	[sflag:s6] =	ssyncset.done $0x0  }
0x1a: {  	s31 =	sand.u32 $0x7, s13;
	s15 =	sadd.s32 s5, s30;
	[sflag:s6] =	ssyncadd.s32 $0xFFFFFFC0  }
0x1b: {  	[hbm4b:s15+s31] =	stream.linear.scatter [tilespmem:s14], [sflag:$0x3], $0x40, $0x38;
	[tilespmem:$0x100] =	vst v63  }
.LBB2_5:
0x1c: {  	s15 =	sadd.s32 $0x800, s11  }
0x1d: {  	p2 =	sgt.s32 s15, $0xFFF  }
0x1e: {  	s15 =	smov.u32 @p2 s3;
	p2 =	sne.s32 s12, s9  }
.Ltmp1:
0x1f: {  	p1 =	slt.u32 s12, $0x2;
	(pc) =	sbr.rel @!p2 .LBB2_6-.Ltmp1, $4  }
0x20: {  	s14 =	simm.s32 @!p1 $0x3  }
0x21: {  	s16 =	sadd.s32 $0x1, s12;
	_ =	swait.ge @!p1 [sflag:s14], $0x40  }
0x22: {  	s13 =	smov.u32 s11;
	p0 =	por !p0, !p0;
	[sflag:s14] =	ssyncset.done @!p1 $0x0  }
0x23: {  	s12 =	smov.u32 s16;
	s11 =	smov.u32 s15;
	[sflag:s14] =	ssyncadd.s32 @!p1 $0xFFFFFFC0  }
.LBB2_1:
0x24: {  	p1 =	sge.u32 s12, s8  }
0x25: {  	s14 =	sxor.u32 @!p1 $0xFFFFFFFF, s12  }
0x26: {  	s31 =	sadd.s32 $0xFFFFFFFF, s12;
	s15 =	sshrl.u32 @!p1 s11, $0x3;
	s14 =	sshll.u32 @!p1 s14, $0x6  }
0x27: {  	s16 =	sand.u32 @!p1 $0x7, s11;
	s15 =	sadd.s32 @!p1 s4, s15;
	s14 =	sand.u32 @!p1 $0x40, s14  }
0x28: {  	[tilespmem:s14], [sflag:$0x2] =	stream.linear.gather @!p1 [hbm4b:s15+s16], $0x40, $0x38;
	[tilespmem:$0x100] =	vst v63  }
0x29: {  	p1 =	sge.u32 s31, s8  }
.Ltmp2:
0x2a: {  	_ = 	snop;
	(pc) =	sbr.rel @p1 .LBB2_5-.Ltmp2, $1  }
0x2b: {  	_ =	sdelay $0x3  }
0x2c: {  	s14 =	simm.s32 $0x1  }
0x2d: {  	_ =	swait.ge [sflag:s7], $0x40;
	s14 =	simm.s32 @!p0 $0x0  }
0x2e: {  	[sflag:s7] =	ssyncset.done $0x0;
	s14 =	sshll.u32 s14, $0x6  }
0x2f: {  	[sflag:s7] =	ssyncadd.s32 $0xFFFFFFC0;
	(ifvalue) =	ssetifvalue $0x7FFFFFFF;
	v0 =	vld.msk [tilespmem:s14+$0x0 ss:$0x1], $0xffff;
	_ =	sdelay $0x4  }
0x30: {  	s15 =	sadd.s32 $0x10, s14;
	v2 =	vshrl.u32 v0, $0xC;
	v3 =	vshll.u32 v0, $0x7  }
0x31: {  	v1 =	vld.msk [tilespmem:s15+$0x0 ss:$0x1], $0xffff;
	vm1 =	veq.s32 v0, $0x80000000;
	v0 =	vand.u32 $0x7, v2;
	v2 =	vand.u32 $0x7FF80, v3  }
0x32: {  	v0 =	vsel vm1, $0xFFFFFFFF, v0;
	v2 =	vsel vm1, $0xFFFFFF80, v2  }
0x33: {  	v3 =	vand.u32 $0xFFFFFC00, v2;
	v4 =	vand.u32 $0xFFFFFC00, v0  }
0x34: {  	v2 =	vand.u32 $0x380, v2;
	v3 =	vadd.s32 v4, v3  }
0x35: {  	v0 =	vand.u32 $0x7F, v0;
	v2 =	vor.u32 v2, v3  }
0x36: {  	v5 =	vshll.u32 v1, $0x7;
	v4 =	vshrl.u32 v1, $0xC;
	v0 =	vor.u32 v0, v2  }
0x37: {  	s16 =	sshll.u32 s12, $0x6;
	vm1 =	veq.s32 v1, $0x80000000;
	v1 =	vand.u32 $0x7, v4;
	v4 =	vand.u32 $0x7FF80, v5  }
0x38: {  	s16 =	sand.u32 $0x40, s16;
	s18 =	sadd.s32 $0x10, s15;
	v3 =	vsel vm1, $0xFFFFFFFF, v1;
	v4 =	vsel vm1, $0xFFFFFF80, v4  }
0x39: {  	s17 =	simm.s32 $0x20;
	s15 =	sor.u32 $0x80, s14;
	s14 =	sor.u32 $0x80, s16;
	v1 =	vld.msk [tilespmem:s18+$0x0 ss:$0x1], $0xffff;
	v5 =	vand.u32 $0xFFFFFC00, v4;
	v6 =	vand.u32 $0xFFFFFC00, v3  }
0x3a: {  	s16 =	sadd.s32 $0x10, s15;
	s18 =	sadd.s32 $0x10, s18;
	(ifvalue) =	ssetifvalue $0x7FFFFFFF;
	v2 =	vand.u32 $0x7F, v3;
	v4 =	vand.u32 $0x380, v4;
	v3 =	vadd.s32 v6, v5  }
.LBB2_3:
0x3b: {  	[tilespmem:s15], [sflag:$0x1] =	stream.indirect_vreg.gather [hbm4b:s2+s10], $0x1, v0, vm0, $0x4038;
	[tilespmem:$0x100] =	vst v63  }
0x3c: {  	s17 =	sadd.s32 $0x10, s17  }
0x3d: {  	v3 =	vor.u32 v4, v3;
	p1 =	slt.u32 s17, $0x30  }
.Ltmp3:
0x3e: {  	v4 =	vshrl.u32 v1, $0xC;
	v5 =	vshll.u32 v1, $0x7;
	s15 =	smov.u32 s16;
	v0 =	vor.u32 v2, v3;
	v2 =	vmovc v1;
	v1 =	vld.msk [tilespmem:s18+$0x0 ss:$0x1], $0xffff;
	(pc) =	sbr.rel @p1 .LBB2_3-.Ltmp3, $4  }
0x3f: {  	v3 =	vand.u32 $0x7FF80, v5;
	vm1 =	veq.s32 v2, $0x80000000;
	v2 =	vand.u32 $0x7, v4  }
0x40: {  	v4 =	vsel vm1, $0xFFFFFFFF, v2;
	v5 =	vsel vm1, $0xFFFFFF80, v3  }
0x41: {  	v2 =	vand.u32 $0x7F, v4;
	v3 =	vand.u32 $0xFFFFFC00, v5;
	v4 =	vand.u32 $0xFFFFFC00, v4  }
0x42: {  	s16 =	sadd.s32 $0x10, s16;
	s18 =	sadd.s32 $0x10, s18;
	v3 =	vadd.s32 v4, v3;
	v4 =	vand.u32 $0x380, v5;
	(ifvalue) =	ssetifvalue $0x7FFFFFFF  }
.Ltmp4:
0x43: {  	_ = 	snop;
	(pc) =	sbr.rel .LBB2_4-.Ltmp4, $1  }
0x44: {  	_ =	sdelay $0x3  }
.LBB2_6:
0x45: {  	_ =	sfence.sel $0x180000  }
0x46: {  	s2 =	simm.s32 $0x2;
	[bflag:$0x0] =	sbarrier.arrive $0xFFFF  }
0x47: {  	s30 =	simm.s32 $0x3;
	[sflag:s2] =	ssyncpa.u1 $0x1  }
0x48: {  	s31 =	simm.s32 $0x1;
	[sflag:s30] =	ssyncpa.u1 $0x1  }
0x49: {  	[sflag:s31] =	ssyncpa.u1 $0x1  }
0x4a: {  	p0 =	sne.s32 s0, $0x0;
	_ =	strace $0x90000047  }
0x4b: {  	s0 =	sadd.s32 @!p0 $0x100000, s1;
	[bflag:$0x2] =	sbarrier.arrive $0xFFFF  }
0x4c: {  	[sflag:s0] =	ssyncadd.tile.s32 @!p0 $0x1;
	_ =	shalt  }
.Lfunc_end2:
_tile_overlayer_lowered:
.L_overlay_start_2:
0x4d: {  	(tag) =	ssettag $0x2  }
0x4e: {  	s0 =	rddreg [dreg:$0x0];
	s2 =	stileid.u32  }
0x4f: {  	s1 =	rddreg [dreg:$0x1];
	p0 =	sne.s32 s2, $0x0  }
0x50: {  	s3 =	rddreg [dreg:$0x2];
	[bflag:$0x3] =	sbarrier.arrive $0xFFFF;
	s2 =	simm.s32 @!p0 $0x1C01  }
0x51: {  	[timem:s3], [sflag:s2] =	dma.local @!p0 [hbm:s0], s1  }
0x52: {  	s0 =	simm.s32 @!p0 $0x1  }
0x53: {  	_ =	swait.ge @!p0 [sflag:s0], s1  }
0x54: {  	s1 =	ssub.s32 @!p0 $0x0, s1;
	[sflag:s0] =	ssyncset.done @!p0 $0x0  }
0x55: {  	[sflag:s0] =	ssyncadd.s32 @!p0 s1  }
0x56: {  	[bflag:$0x3] =	sbarrier.arrive $0xFFFF  }
0x57: {  	_ =	shalt  }

</sc_bundles>
